<compile_context>
chip_gen: v7x
topology: tpu7x:2x2x1
jax: 0.10.2.dev20260603
libtpu: 0.0.44.dev20260713+nightly
codegen_flags: <defaults>
</compile_context>

<pallas_src>
import functools

import jax
import jax.numpy as jnp
from jax import lax
from jax.experimental import pallas as pl
from jax.experimental.pallas import tpu as pltpu
from jax.experimental.pallas import tpu_sc as plsc

_NUM_CODES = 1024
_CODE_DIM = 64
_COMMITMENT_COST = 0.25


def _vq_tc_kernel(x_ref, cb_ref, codes_ref, loss_ref):
    i = pl.program_id(0)
    nb = pl.num_programs(0)
    x = x_ref[...]
    cb = cb_ref[...]

    v = x * x
    w = v[:, 0:8]
    for g in range(1, 8):
        w = w + v[:, 8 * g:8 * (g + 1)]
    t = w[:, 0:4] + w[:, 4:8]
    t = t[:, 0:2] + t[:, 2:4]
    x2 = t[:, 0:1] + t[:, 1:2]
    c2 = jnp.sum(cb * cb, axis=1)[None, :]

    cb2 = cb + cb
    xc2 = jax.lax.dot_general(x, cb2, (((1,), (1,)), ((), ())),
                              preferred_element_type=jnp.float32)
    d2 = (x2 + c2) - xc2
    dist = jnp.sqrt(jnp.maximum(d2, 0.0))

    m8 = dist[:, 0:128]
    for c in range(1, _NUM_CODES // 128):
        m8 = jnp.minimum(m8, dist[:, 128 * c:128 * (c + 1)])
    minv = jnp.min(m8, axis=1, keepdims=True)
    iota128 = jax.lax.broadcasted_iota(jnp.int32, m8.shape, 1)
    c8 = jnp.full(m8.shape, _NUM_CODES, jnp.int32)
    for c in range(_NUM_CODES // 128):
        chunk = dist[:, 128 * c:128 * (c + 1)]
        c8 = jnp.minimum(c8, jnp.where(chunk == minv, iota128 + 128 * c,
                                       _NUM_CODES))
    codes_ref[...] = jnp.min(c8, axis=1)

    bsum = jnp.sum(minv * minv)

    @pl.when(i == 0)
    def _init():
        loss_ref[0, 0] = 0.0

    loss_ref[0, 0] += bsum

    @pl.when(i == nb - 1)
    def _finalize():
        m = loss_ref[0, 0] / (nb * x.shape[0] * _CODE_DIM)
        loss_ref[0, 0] = m + _COMMITMENT_COST * m


_SC_ROW = 128


def _make_sc_gather(n_rows):
    info = plsc.get_sparse_core_info()
    nw = info.num_cores * info.num_subcores
    b_per_w = n_rows // nw
    n_chunks = 3
    chunk = b_per_w // n_chunks
    mesh = plsc.VectorSubcoreMesh(core_axis_name="c", subcore_axis_name="s")

    @functools.partial(
        pl.kernel, mesh=mesh,
        out_type=jax.ShapeDtypeStruct((n_rows, _SC_ROW), jnp.float32),
        scratch_types=[
            pltpu.VMEM((chunk,), jnp.int32),
            pltpu.VMEM((chunk,), jnp.int32),
            pltpu.VMEM((chunk,), jnp.int32),
            pltpu.VMEM((chunk, _SC_ROW), jnp.float32),
            pltpu.VMEM((chunk, _SC_ROW), jnp.float32),
            pltpu.VMEM((chunk, _SC_ROW), jnp.float32),
            pltpu.SemaphoreType.DMA,
            pltpu.SemaphoreType.DMA,
            pltpu.SemaphoreType.DMA,
            pltpu.SemaphoreType.DMA,
        ],
    )
    def gather_kernel(cb_hbm, codes_hbm, out_hbm,
                      i0, i1, i2, r0, r1, r2, g0, g1, g2, osem):
        idx = (i0, i1, i2)
        rows = (r0, r1, r2)
        gsem = (g0, g1, g2)
        wid = lax.axis_index("s") * info.num_cores + lax.axis_index("c")
        base = wid * b_per_w
        for j in range(n_chunks):
            pltpu.sync_copy(codes_hbm.at[pl.ds(base + j * chunk, chunk)],
                            idx[j])
        gathers = [
            pltpu.async_copy(cb_hbm.at[idx[j]], rows[j], gsem[j])
            for j in range(n_chunks)
        ]
        outs = []
        for j in range(n_chunks):
            gathers[j].wait()
            outs.append(pltpu.async_copy(
                rows[j], out_hbm.at[pl.ds(base + j * chunk, chunk)], osem))
        for o in outs:
            o.wait()

    return gather_kernel


@jax.jit
def kernel(latents, codebook):
    lshape = latents.shape
    flat = latents.reshape(-1, _CODE_DIM)
    n = flat.shape[0]
    rows = 3072
    nb = n // rows

    codes3, loss = pl.pallas_call(
        _vq_tc_kernel,
        grid=(nb,),
        in_specs=[
            pl.BlockSpec((rows, _CODE_DIM), lambda i: (i, 0)),
            pl.BlockSpec((_NUM_CODES, _CODE_DIM), lambda i: (0, 0)),
        ],
        out_specs=[
            pl.BlockSpec((rows,), lambda i: (i,)),
            pl.BlockSpec((1, 1), lambda i: (0, 0), memory_space=pltpu.SMEM),
        ],
        out_shape=[
            jax.ShapeDtypeStruct((n, ), jnp.int32),
            jax.ShapeDtypeStruct((1, 1), jnp.float32),
        ],
    )(flat, codebook)

    codes_flat = codes3
    cb_pad = jnp.concatenate([codebook, jnp.zeros_like(codebook)], axis=1)
    quantized_pad = _make_sc_gather(n)(cb_pad, codes_flat)

    quantized = quantized_pad[:, :_CODE_DIM].reshape(lshape)
    codes = codes3.reshape(lshape[:-1])
    vq_loss = loss.reshape(())
    return quantized, codes, vq_loss

# --- scband reference (transcript-rebuilt; emitter-appended) ---
"""Pipeline reference for scband-vector-quantizer-27908697489601 (READ-ONLY COPY).

The authoritative reference and input builder live on the scoring server;
editing this copy changes nothing except your own understanding.
"""

import jax, jax.numpy as jnp
import numpy as np

NUM_CODES = 1024
CODE_DIM = 64
COMMITMENT_COST = 0.25


def setup_inputs(seed: int = 0) -> dict:
    key = jax.random.key(seed)
    k1, k2 = jax.random.split(key)
    latents = jax.random.normal(k1, (16, 576, CODE_DIM), dtype=jnp.float32)
    codebook = jax.random.uniform(k2, (NUM_CODES, CODE_DIM), dtype=jnp.float32,
                                  minval=-1.0 / NUM_CODES, maxval=1.0 / NUM_CODES)
    return {"latents": latents, "codebook": codebook}


def reference(latents, codebook):
    latents_shape = latents.shape
    flat_latents = latents.reshape(-1, CODE_DIM)
    # cdist(p=2) via expanded quadratic form: ||x||^2 + ||c||^2 - 2 x c^T
    x2 = jnp.sum(flat_latents * flat_latents, axis=1, keepdims=True)
    c2 = jnp.sum(codebook * codebook, axis=1)[None, :]
    d2 = x2 + c2 - 2.0 * (flat_latents @ codebook.T)
    distances = jnp.sqrt(jnp.maximum(d2, 0.0))
    codes_flat = jnp.argmin(distances, axis=-1)
    codes = codes_flat.reshape(latents_shape[:-1])
    quantized_flat = jnp.take(codebook, codes_flat, axis=0)
    quantized = quantized_flat.reshape(latents_shape)
    commitment_loss = jnp.mean((latents - jax.lax.stop_gradient(quantized)) ** 2)
    embedding_loss = jnp.mean((quantized - jax.lax.stop_gradient(latents)) ** 2)
    vq_loss = embedding_loss + COMMITMENT_COST * commitment_loss
    quantized_st = latents + jax.lax.stop_gradient(quantized - latents)
    return (quantized_st, codes, vq_loss)

if __name__ == "__main__":
    import jax
    _d = setup_inputs()
    print(jax.jit(kernel)(*tuple(_d.values())))

</pallas_src>

<mosaic_0001>
#map = affine_map<(d0, d1) -> (0, 0)>
#map1 = affine_map<(d0, d1) -> (0)>
module attributes {stable_mosaic.version = 14 : i64} {
  func.func @gather_kernel(%arg0: i32, %arg1: i32, %arg2: memref<1024x128xf32, #tpu.memory_space<hbm>>, %arg3: memref<9216xi32, #tpu.memory_space<hbm>>, %arg4: memref<9216x128xf32, #tpu.memory_space<hbm>>, %arg5: memref<96xi32, #tpu.memory_space<vmem>>, %arg6: memref<96xi32, #tpu.memory_space<vmem>>, %arg7: memref<96xi32, #tpu.memory_space<vmem>>, %arg8: memref<96x128xf32, #tpu.memory_space<vmem>>, %arg9: memref<96x128xf32, #tpu.memory_space<vmem>>, %arg10: memref<96x128xf32, #tpu.memory_space<vmem>>, %arg11: memref<!tpu.dma_semaphore, #tpu.memory_space<semaphore_mem>>, %arg12: memref<!tpu.dma_semaphore, #tpu.memory_space<semaphore_mem>>, %arg13: memref<!tpu.dma_semaphore, #tpu.memory_space<semaphore_mem>>, %arg14: memref<!tpu.dma_semaphore, #tpu.memory_space<semaphore_mem>>) attributes {dimension_semantics = [#tpu.dimension_semantics<core_parallel>, #tpu.dimension_semantics<subcore_parallel>], iteration_bounds = array<i64: 2, 16>, scalar_prefetch = 0 : i64, scratch_operands = 10 : i64, tpu.core_type = #tpu.core_type<sc_vector_subcore>, window_params = [{transform_indices = #map}, {transform_indices = #map1}, {transform_indices = #map}]} {
    %mul3A = arith.constant 2 : i32
    %mul3A_0 = arith.muli %arg1, %mul3A : i32
    %add3A = arith.addi %mul3A_0, %arg0 : i32
    %mul3A_1 = arith.constant 288 : i32
    %mul3A_2 = arith.muli %add3A, %mul3A_1 : i32
    %add3A_3 = arith.constant 0 : i32
    %add3A_4 = arith.addi %mul3A_2, %add3A_3 : i32
    "tpu.region"() ({
      %run_scoped3A = tpu.sem_alloc : memref<!tpu.dma_semaphore, #tpu.memory_space<semaphore_mem>>
      %dma_start3A_55 = tpu.memref_slice %arg3[%add3A_4] : memref<9216xi32, #tpu.memory_space<hbm>> -> memref<96xi32, #tpu.memory_space<hbm>>
      %dma_start3A_56 = tpu.memref_slice %arg3[%add3A_4] : memref<9216xi32, #tpu.memory_space<hbm>> -> memref<96xi32, #tpu.memory_space<hbm>>
      tpu.enqueue_dma source(%dma_start3A_56 : memref<96xi32, #tpu.memory_space<hbm>>) target(%arg5 : memref<96xi32, #tpu.memory_space<vmem>>) target_semaphore(%run_scoped3A : memref<!tpu.dma_semaphore, #tpu.memory_space<semaphore_mem>>)
      %dma_wait3A_57 = tpu.memref_slice %arg3[%add3A_4] : memref<9216xi32, #tpu.memory_space<hbm>> -> memref<96xi32, #tpu.memory_space<hbm>>
      %dma_wait3A_58 = tpu.memref_slice %arg3[%add3A_4] : memref<9216xi32, #tpu.memory_space<hbm>> -> memref<96xi32, #tpu.memory_space<hbm>>
      tpu.wait_dma2 semaphore(%run_scoped3A : memref<!tpu.dma_semaphore, #tpu.memory_space<semaphore_mem>>) src(%dma_wait3A_58 : memref<96xi32, #tpu.memory_space<hbm>>) dst(%arg5 : memref<96xi32, #tpu.memory_space<vmem>>)
      tpu.yield
    }) : () -> ()
    %add3A_5 = arith.constant 96 : i32
    %add3A_6 = arith.addi %mul3A_2, %add3A_5 : i32
    "tpu.region"() ({
      %run_scoped3A = tpu.sem_alloc : memref<!tpu.dma_semaphore, #tpu.memory_space<semaphore_mem>>
      %dma_start3A_55 = tpu.memref_slice %arg3[%add3A_6] : memref<9216xi32, #tpu.memory_space<hbm>> -> memref<96xi32, #tpu.memory_space<hbm>>
      %dma_start3A_56 = tpu.memref_slice %arg3[%add3A_6] : memref<9216xi32, #tpu.memory_space<hbm>> -> memref<96xi32, #tpu.memory_space<hbm>>
      tpu.enqueue_dma source(%dma_start3A_56 : memref<96xi32, #tpu.memory_space<hbm>>) target(%arg6 : memref<96xi32, #tpu.memory_space<vmem>>) target_semaphore(%run_scoped3A : memref<!tpu.dma_semaphore, #tpu.memory_space<semaphore_mem>>)
      %dma_wait3A_57 = tpu.memref_slice %arg3[%add3A_6] : memref<9216xi32, #tpu.memory_space<hbm>> -> memref<96xi32, #tpu.memory_space<hbm>>
      %dma_wait3A_58 = tpu.memref_slice %arg3[%add3A_6] : memref<9216xi32, #tpu.memory_space<hbm>> -> memref<96xi32, #tpu.memory_space<hbm>>
      tpu.wait_dma2 semaphore(%run_scoped3A : memref<!tpu.dma_semaphore, #tpu.memory_space<semaphore_mem>>) src(%dma_wait3A_58 : memref<96xi32, #tpu.memory_space<hbm>>) dst(%arg6 : memref<96xi32, #tpu.memory_space<vmem>>)
      tpu.yield
    }) : () -> ()
    %add3A_7 = arith.constant 192 : i32
    %add3A_8 = arith.addi %mul3A_2, %add3A_7 : i32
    "tpu.region"() ({
      %run_scoped3A = tpu.sem_alloc : memref<!tpu.dma_semaphore, #tpu.memory_space<semaphore_mem>>
      %dma_start3A_55 = tpu.memref_slice %arg3[%add3A_8] : memref<9216xi32, #tpu.memory_space<hbm>> -> memref<96xi32, #tpu.memory_space<hbm>>
      %dma_start3A_56 = tpu.memref_slice %arg3[%add3A_8] : memref<9216xi32, #tpu.memory_space<hbm>> -> memref<96xi32, #tpu.memory_space<hbm>>
      tpu.enqueue_dma source(%dma_start3A_56 : memref<96xi32, #tpu.memory_space<hbm>>) target(%arg7 : memref<96xi32, #tpu.memory_space<vmem>>) target_semaphore(%run_scoped3A : memref<!tpu.dma_semaphore, #tpu.memory_space<semaphore_mem>>)
      %dma_wait3A_57 = tpu.memref_slice %arg3[%add3A_8] : memref<9216xi32, #tpu.memory_space<hbm>> -> memref<96xi32, #tpu.memory_space<hbm>>
      %dma_wait3A_58 = tpu.memref_slice %arg3[%add3A_8] : memref<9216xi32, #tpu.memory_space<hbm>> -> memref<96xi32, #tpu.memory_space<hbm>>
      tpu.wait_dma2 semaphore(%run_scoped3A : memref<!tpu.dma_semaphore, #tpu.memory_space<semaphore_mem>>) src(%dma_wait3A_58 : memref<96xi32, #tpu.memory_space<hbm>>) dst(%arg7 : memref<96xi32, #tpu.memory_space<vmem>>)
      tpu.yield
    }) : () -> ()
    %dma_start3A = arith.constant 0 : i32
    %dma_start3A_9 = arith.constant 0 : i32
    %dma_start3A_10 = tpu.memref_slice %arg2[%dma_start3A, %dma_start3A_9] : memref<1024x128xf32, #tpu.memory_space<hbm>> -> memref<1024x128xf32, #tpu.memory_space<hbm>>
    tpu.enqueue_indirect_dma source(%dma_start3A_10 : memref<1024x128xf32, #tpu.memory_space<hbm>>) target(%arg8 : memref<96x128xf32, #tpu.memory_space<vmem>>) offsets(%arg5 : memref<96xi32, #tpu.memory_space<vmem>>) semaphore(%arg11 : memref<!tpu.dma_semaphore, #tpu.memory_space<semaphore_mem>>)
    %dma_start3A_11 = arith.constant 0 : i32
    %dma_start3A_12 = arith.constant 0 : i32
    %dma_start3A_13 = tpu.memref_slice %arg2[%dma_start3A_11, %dma_start3A_12] : memref<1024x128xf32, #tpu.memory_space<hbm>> -> memref<1024x128xf32, #tpu.memory_space<hbm>>
    tpu.enqueue_indirect_dma source(%dma_start3A_13 : memref<1024x128xf32, #tpu.memory_space<hbm>>) target(%arg9 : memref<96x128xf32, #tpu.memory_space<vmem>>) offsets(%arg6 : memref<96xi32, #tpu.memory_space<vmem>>) semaphore(%arg12 : memref<!tpu.dma_semaphore, #tpu.memory_space<semaphore_mem>>)
    %dma_start3A_14 = arith.constant 0 : i32
    %dma_start3A_15 = arith.constant 0 : i32
    %dma_start3A_16 = tpu.memref_slice %arg2[%dma_start3A_14, %dma_start3A_15] : memref<1024x128xf32, #tpu.memory_space<hbm>> -> memref<1024x128xf32, #tpu.memory_space<hbm>>
    tpu.enqueue_indirect_dma source(%dma_start3A_16 : memref<1024x128xf32, #tpu.memory_space<hbm>>) target(%arg10 : memref<96x128xf32, #tpu.memory_space<vmem>>) offsets(%arg7 : memref<96xi32, #tpu.memory_space<vmem>>) semaphore(%arg13 : memref<!tpu.dma_semaphore, #tpu.memory_space<semaphore_mem>>)
    %dma_wait3A = arith.constant 0 : i32
    %dma_wait3A_17 = arith.constant 0 : i32
    %dma_wait3A_18 = tpu.memref_slice %arg2[%dma_wait3A, %dma_wait3A_17] : memref<1024x128xf32, #tpu.memory_space<hbm>> -> memref<1024x128xf32, #tpu.memory_space<hbm>>
    tpu.wait_indirect_dma semaphore(%arg11 : memref<!tpu.dma_semaphore, #tpu.memory_space<semaphore_mem>>) src(%dma_wait3A_18 : memref<1024x128xf32, #tpu.memory_space<hbm>>) dst(%arg8 : memref<96x128xf32, #tpu.memory_space<vmem>>)
    %add3A_19 = arith.constant 0 : i32
    %add3A_20 = arith.addi %mul3A_2, %add3A_19 : i32
    %dma_start3A_21 = arith.constant 0 : i32
    %dma_start3A_22 = tpu.memref_slice %arg4[%add3A_20, %dma_start3A_21] : memref<9216x128xf32, #tpu.memory_space<hbm>> -> memref<96x128xf32, #tpu.memory_space<hbm>>
    %dma_start3A_23 = arith.constant 0 : i32
    %dma_start3A_24 = tpu.memref_slice %arg4[%add3A_20, %dma_start3A_23] : memref<9216x128xf32, #tpu.memory_space<hbm>> -> memref<96x128xf32, #tpu.memory_space<hbm>>
    tpu.enqueue_dma source(%arg8 : memref<96x128xf32, #tpu.memory_space<vmem>>) target(%dma_start3A_24 : memref<96x128xf32, #tpu.memory_space<hbm>>) target_semaphore(%arg14 : memref<!tpu.dma_semaphore, #tpu.memory_space<semaphore_mem>>)
    %dma_wait3A_25 = arith.constant 0 : i32
    %dma_wait3A_26 = arith.constant 0 : i32
    %dma_wait3A_27 = tpu.memref_slice %arg2[%dma_wait3A_25, %dma_wait3A_26] : memref<1024x128xf32, #tpu.memory_space<hbm>> -> memref<1024x128xf32, #tpu.memory_space<hbm>>
    tpu.wait_indirect_dma semaphore(%arg12 : memref<!tpu.dma_semaphore, #tpu.memory_space<semaphore_mem>>) src(%dma_wait3A_27 : memref<1024x128xf32, #tpu.memory_space<hbm>>) dst(%arg9 : memref<96x128xf32, #tpu.memory_space<vmem>>)
    %add3A_28 = arith.constant 96 : i32
    %add3A_29 = arith.addi %mul3A_2, %add3A_28 : i32
    %dma_start3A_30 = arith.constant 0 : i32
    %dma_start3A_31 = tpu.memref_slice %arg4[%add3A_29, %dma_start3A_30] : memref<9216x128xf32, #tpu.memory_space<hbm>> -> memref<96x128xf32, #tpu.memory_space<hbm>>
    %dma_start3A_32 = arith.constant 0 : i32
    %dma_start3A_33 = tpu.memref_slice %arg4[%add3A_29, %dma_start3A_32] : memref<9216x128xf32, #tpu.memory_space<hbm>> -> memref<96x128xf32, #tpu.memory_space<hbm>>
    tpu.enqueue_dma source(%arg9 : memref<96x128xf32, #tpu.memory_space<vmem>>) target(%dma_start3A_33 : memref<96x128xf32, #tpu.memory_space<hbm>>) target_semaphore(%arg14 : memref<!tpu.dma_semaphore, #tpu.memory_space<semaphore_mem>>)
    %dma_wait3A_34 = arith.constant 0 : i32
    %dma_wait3A_35 = arith.constant 0 : i32
    %dma_wait3A_36 = tpu.memref_slice %arg2[%dma_wait3A_34, %dma_wait3A_35] : memref<1024x128xf32, #tpu.memory_space<hbm>> -> memref<1024x128xf32, #tpu.memory_space<hbm>>
    tpu.wait_indirect_dma semaphore(%arg13 : memref<!tpu.dma_semaphore, #tpu.memory_space<semaphore_mem>>) src(%dma_wait3A_36 : memref<1024x128xf32, #tpu.memory_space<hbm>>) dst(%arg10 : memref<96x128xf32, #tpu.memory_space<vmem>>)
    %add3A_37 = arith.constant 192 : i32
    %add3A_38 = arith.addi %mul3A_2, %add3A_37 : i32
    %dma_start3A_39 = arith.constant 0 : i32
    %dma_start3A_40 = tpu.memref_slice %arg4[%add3A_38, %dma_start3A_39] : memref<9216x128xf32, #tpu.memory_space<hbm>> -> memref<96x128xf32, #tpu.memory_space<hbm>>
    %dma_start3A_41 = arith.constant 0 : i32
    %dma_start3A_42 = tpu.memref_slice %arg4[%add3A_38, %dma_start3A_41] : memref<9216x128xf32, #tpu.memory_space<hbm>> -> memref<96x128xf32, #tpu.memory_space<hbm>>
    tpu.enqueue_dma source(%arg10 : memref<96x128xf32, #tpu.memory_space<vmem>>) target(%dma_start3A_42 : memref<96x128xf32, #tpu.memory_space<hbm>>) target_semaphore(%arg14 : memref<!tpu.dma_semaphore, #tpu.memory_space<semaphore_mem>>)
    %dma_wait3A_43 = arith.constant 0 : i32
    %dma_wait3A_44 = tpu.memref_slice %arg4[%add3A_20, %dma_wait3A_43] : memref<9216x128xf32, #tpu.memory_space<hbm>> -> memref<96x128xf32, #tpu.memory_space<hbm>>
    %dma_wait3A_45 = arith.constant 0 : i32
    %dma_wait3A_46 = tpu.memref_slice %arg4[%add3A_20, %dma_wait3A_45] : memref<9216x128xf32, #tpu.memory_space<hbm>> -> memref<96x128xf32, #tpu.memory_space<hbm>>
    tpu.wait_dma2 semaphore(%arg14 : memref<!tpu.dma_semaphore, #tpu.memory_space<semaphore_mem>>) src(%arg8 : memref<96x128xf32, #tpu.memory_space<vmem>>) dst(%dma_wait3A_46 : memref<96x128xf32, #tpu.memory_space<hbm>>)
    %dma_wait3A_47 = arith.constant 0 : i32
    %dma_wait3A_48 = tpu.memref_slice %arg4[%add3A_29, %dma_wait3A_47] : memref<9216x128xf32, #tpu.memory_space<hbm>> -> memref<96x128xf32, #tpu.memory_space<hbm>>
    %dma_wait3A_49 = arith.constant 0 : i32
    %dma_wait3A_50 = tpu.memref_slice %arg4[%add3A_29, %dma_wait3A_49] : memref<9216x128xf32, #tpu.memory_space<hbm>> -> memref<96x128xf32, #tpu.memory_space<hbm>>
    tpu.wait_dma2 semaphore(%arg14 : memref<!tpu.dma_semaphore, #tpu.memory_space<semaphore_mem>>) src(%arg9 : memref<96x128xf32, #tpu.memory_space<vmem>>) dst(%dma_wait3A_50 : memref<96x128xf32, #tpu.memory_space<hbm>>)
    %dma_wait3A_51 = arith.constant 0 : i32
    %dma_wait3A_52 = tpu.memref_slice %arg4[%add3A_38, %dma_wait3A_51] : memref<9216x128xf32, #tpu.memory_space<hbm>> -> memref<96x128xf32, #tpu.memory_space<hbm>>
    %dma_wait3A_53 = arith.constant 0 : i32
    %dma_wait3A_54 = tpu.memref_slice %arg4[%add3A_38, %dma_wait3A_53] : memref<9216x128xf32, #tpu.memory_space<hbm>> -> memref<96x128xf32, #tpu.memory_space<hbm>>
    tpu.wait_dma2 semaphore(%arg14 : memref<!tpu.dma_semaphore, #tpu.memory_space<semaphore_mem>>) src(%arg10 : memref<96x128xf32, #tpu.memory_space<vmem>>) dst(%dma_wait3A_54 : memref<96x128xf32, #tpu.memory_space<hbm>>)
    return
  }
}

module attributes {stable_mosaic.version = 14 : i64} {
  func.func @_vq_tc_kernel(%arg0: i32, %arg1: memref<3072x64xf32, #tpu.memory_space<vmem>>, %arg2: memref<1024x64xf32, #tpu.memory_space<vmem>>, %arg3: memref<3072xi32, #tpu.memory_space<vmem>>, %arg4: memref<1x1xf32, #tpu.memory_space<smem>>) attributes {dimension_semantics = [#tpu.dimension_semantics<arbitrary>], iteration_bounds = array<i64: 3>, scalar_prefetch = 0 : i64, scratch_operands = 0 : i64, tpu.core_type = #tpu.core_type<tc>, window_params = [{transform_indices = @transform_0, window_bounds = array<i64: 3072, 64>}, {pipeline_mode = #tpu.pipeline_mode<synchronous>, transform_indices = @transform_1, window_bounds = array<i64: 1024, 64>}, {transform_indices = @transform_2, window_bounds = array<i64: 3072>}, {transform_indices = @transform_3, window_bounds = array<i64: 1, 1>}]} {
    %get3A = arith.constant 0 : index
    %get3A_0 = arith.constant 0 : index
    %get3A_1 = vector.load %arg1[%get3A, %get3A_0] : memref<3072x64xf32, #tpu.memory_space<vmem>>, vector<3072x64xf32>
    %get3A_2 = arith.constant 0 : index
    %get3A_3 = arith.constant 0 : index
    %get3A_4 = vector.load %arg2[%get3A_2, %get3A_3] : memref<1024x64xf32, #tpu.memory_space<vmem>>, vector<1024x64xf32>
    %mul3A = arith.mulf %get3A_1, %get3A_1 : vector<3072x64xf32>
    %slice3A = vector.extract_strided_slice %mul3A {offsets = [0, 0], sizes = [3072, 8], strides = [1, 1]} : vector<3072x64xf32> to vector<3072x8xf32>
    %slice3A_5 = vector.extract_strided_slice %mul3A {offsets = [0, 8], sizes = [3072, 8], strides = [1, 1]} : vector<3072x64xf32> to vector<3072x8xf32>
    %add3A = arith.addf %slice3A, %slice3A_5 : vector<3072x8xf32>
    %slice3A_6 = vector.extract_strided_slice %mul3A {offsets = [0, 16], sizes = [3072, 8], strides = [1, 1]} : vector<3072x64xf32> to vector<3072x8xf32>
    %add3A_7 = arith.addf %add3A, %slice3A_6 : vector<3072x8xf32>
    %slice3A_8 = vector.extract_strided_slice %mul3A {offsets = [0, 24], sizes = [3072, 8], strides = [1, 1]} : vector<3072x64xf32> to vector<3072x8xf32>
    %add3A_9 = arith.addf %add3A_7, %slice3A_8 : vector<3072x8xf32>
    %slice3A_10 = vector.extract_strided_slice %mul3A {offsets = [0, 32], sizes = [3072, 8], strides = [1, 1]} : vector<3072x64xf32> to vector<3072x8xf32>
    %add3A_11 = arith.addf %add3A_9, %slice3A_10 : vector<3072x8xf32>
    %slice3A_12 = vector.extract_strided_slice %mul3A {offsets = [0, 40], sizes = [3072, 8], strides = [1, 1]} : vector<3072x64xf32> to vector<3072x8xf32>
    %add3A_13 = arith.addf %add3A_11, %slice3A_12 : vector<3072x8xf32>
    %slice3A_14 = vector.extract_strided_slice %mul3A {offsets = [0, 48], sizes = [3072, 8], strides = [1, 1]} : vector<3072x64xf32> to vector<3072x8xf32>
    %add3A_15 = arith.addf %add3A_13, %slice3A_14 : vector<3072x8xf32>
    %slice3A_16 = vector.extract_strided_slice %mul3A {offsets = [0, 56], sizes = [3072, 8], strides = [1, 1]} : vector<3072x64xf32> to vector<3072x8xf32>
    %add3A_17 = arith.addf %add3A_15, %slice3A_16 : vector<3072x8xf32>
    %slice3A_18 = vector.extract_strided_slice %add3A_17 {offsets = [0, 0], sizes = [3072, 4], strides = [1, 1]} : vector<3072x8xf32> to vector<3072x4xf32>
    %slice3A_19 = vector.extract_strided_slice %add3A_17 {offsets = [0, 4], sizes = [3072, 4], strides = [1, 1]} : vector<3072x8xf32> to vector<3072x4xf32>
    %add3A_20 = arith.addf %slice3A_18, %slice3A_19 : vector<3072x4xf32>
    %slice3A_21 = vector.extract_strided_slice %add3A_20 {offsets = [0, 0], sizes = [3072, 2], strides = [1, 1]} : vector<3072x4xf32> to vector<3072x2xf32>
    %slice3A_22 = vector.extract_strided_slice %add3A_20 {offsets = [0, 2], sizes = [3072, 2], strides = [1, 1]} : vector<3072x4xf32> to vector<3072x2xf32>
    %add3A_23 = arith.addf %slice3A_21, %slice3A_22 : vector<3072x2xf32>
    %slice3A_24 = vector.extract_strided_slice %add3A_23 {offsets = [0, 0], sizes = [3072, 1], strides = [1, 1]} : vector<3072x2xf32> to vector<3072x1xf32>
    %slice3A_25 = vector.extract_strided_slice %add3A_23 {offsets = [0, 1], sizes = [3072, 1], strides = [1, 1]} : vector<3072x2xf32> to vector<3072x1xf32>
    %add3A_26 = arith.addf %slice3A_24, %slice3A_25 : vector<3072x1xf32>
    %mul3A_27 = arith.mulf %get3A_4, %get3A_4 : vector<1024x64xf32>
    %reduce_sum3A = arith.constant dense<0.000000e+00> : vector<1024xf32>
    %reduce_sum3A_28 = vector.multi_reduction <add>, %mul3A_27, %reduce_sum3A [1] : vector<1024x64xf32> to vector<1024xf32>
    %broadcast_in_dim3A = vector.shape_cast %reduce_sum3A_28 : vector<1024xf32> to vector<1x1024xf32>
    %add3A_29 = arith.addf %get3A_4, %get3A_4 : vector<1024x64xf32>
    %dot_general3A = arith.constant dense<0.000000e+00> : vector<3072x1024xf32>
    %dot_general3A_30 = tpu.matmul %get3A_1, %add3A_29, %dot_general3A {dimension_numbers = #tpu.dot_dimension_numbers<[1], [1], [0], [0], [0, 0, 1, 0], [], []>, transpose_lhs_hint = false} : vector<3072x64xf32>, vector<1024x64xf32>, vector<3072x1024xf32> -> vector<3072x1024xf32>
    %add3A_31 = vector.broadcast %add3A_26 : vector<3072x1xf32> to vector<3072x1024xf32>
    %add3A_32 = vector.broadcast %broadcast_in_dim3A : vector<1x1024xf32> to vector<3072x1024xf32>
    %add3A_33 = arith.addf %add3A_31, %add3A_32 : vector<3072x1024xf32>
    %sub3A = arith.subf %add3A_33, %dot_general3A_30 : vector<3072x1024xf32>
    %max3A = arith.constant 0.000000e+00 : f32
    %max3A_34 = vector.broadcast %max3A : f32 to vector<3072x1024xf32>
    %max3A_35 = arith.maximumf %sub3A, %max3A_34 : vector<3072x1024xf32>
    %sqrt3A = math.sqrt %max3A_35 : vector<3072x1024xf32>
    %slice3A_36 = vector.extract_strided_slice %sqrt3A {offsets = [0, 0], sizes = [3072, 128], strides = [1, 1]} : vector<3072x1024xf32> to vector<3072x128xf32>
    %slice3A_37 = vector.extract_strided_slice %sqrt3A {offsets = [0, 128], sizes = [3072, 128], strides = [1, 1]} : vector<3072x1024xf32> to vector<3072x128xf32>
    %min3A = arith.minimumf %slice3A_36, %slice3A_37 : vector<3072x128xf32>
    %slice3A_38 = vector.extract_strided_slice %sqrt3A {offsets = [0, 256], sizes = [3072, 128], strides = [1, 1]} : vector<3072x1024xf32> to vector<3072x128xf32>
    %min3A_39 = arith.minimumf %min3A, %slice3A_38 : vector<3072x128xf32>
    %slice3A_40 = vector.extract_strided_slice %sqrt3A {offsets = [0, 384], sizes = [3072, 128], strides = [1, 1]} : vector<3072x1024xf32> to vector<3072x128xf32>
    %min3A_41 = arith.minimumf %min3A_39, %slice3A_40 : vector<3072x128xf32>
    %slice3A_42 = vector.extract_strided_slice %sqrt3A {offsets = [0, 512], sizes = [3072, 128], strides = [1, 1]} : vector<3072x1024xf32> to vector<3072x128xf32>
    %min3A_43 = arith.minimumf %min3A_41, %slice3A_42 : vector<3072x128xf32>
    %slice3A_44 = vector.extract_strided_slice %sqrt3A {offsets = [0, 640], sizes = [3072, 128], strides = [1, 1]} : vector<3072x1024xf32> to vector<3072x128xf32>
    %min3A_45 = arith.minimumf %min3A_43, %slice3A_44 : vector<3072x128xf32>
    %slice3A_46 = vector.extract_strided_slice %sqrt3A {offsets = [0, 768], sizes = [3072, 128], strides = [1, 1]} : vector<3072x1024xf32> to vector<3072x128xf32>
    %min3A_47 = arith.minimumf %min3A_45, %slice3A_46 : vector<3072x128xf32>
    %slice3A_48 = vector.extract_strided_slice %sqrt3A {offsets = [0, 896], sizes = [3072, 128], strides = [1, 1]} : vector<3072x1024xf32> to vector<3072x128xf32>
    %min3A_49 = arith.minimumf %min3A_47, %slice3A_48 : vector<3072x128xf32>
    %reduce_min3A = arith.constant dense<0x7F800000> : vector<3072xf32>
    %reduce_min3A_50 = vector.multi_reduction <minimumf>, %min3A_49, %reduce_min3A [1] : vector<3072x128xf32> to vector<3072xf32>
    %broadcast_in_dim3A_51 = vector.shape_cast %reduce_min3A_50 : vector<3072xf32> to vector<3072x1xf32>
    %iota3A = tpu.iota {dimensions = array<i32: 1>} : vector<3072x128xi32>
    %broadcast_in_dim3A_52 = arith.constant 1024 : i32
    %broadcast_in_dim3A_53 = vector.broadcast %broadcast_in_dim3A_52 : i32 to vector<3072x128xi32>
    %slice3A_54 = vector.extract_strided_slice %sqrt3A {offsets = [0, 0], sizes = [3072, 128], strides = [1, 1]} : vector<3072x1024xf32> to vector<3072x128xf32>
    %eq3A = vector.broadcast %broadcast_in_dim3A_51 : vector<3072x1xf32> to vector<3072x128xf32>
    %eq3A_55 = arith.cmpf oeq, %slice3A_54, %eq3A : vector<3072x128xf32>
    %add3A_56 = arith.constant 0 : i32
    %add3A_57 = vector.broadcast %add3A_56 : i32 to vector<3072x128xi32>
    %add3A_58 = arith.addi %iota3A, %add3A_57 : vector<3072x128xi32>
    %jit3A = arith.constant 1024 : i32
    %broadcast_in_dim3A_59 = vector.broadcast %jit3A : i32 to vector<3072x128xi32>
    %select_n3A = arith.select %eq3A_55, %add3A_58, %broadcast_in_dim3A_59 : vector<3072x128xi1>, vector<3072x128xi32>
    %min3A_60 = arith.minsi %broadcast_in_dim3A_53, %select_n3A : vector<3072x128xi32>
    %slice3A_61 = vector.extract_strided_slice %sqrt3A {offsets = [0, 128], sizes = [3072, 128], strides = [1, 1]} : vector<3072x1024xf32> to vector<3072x128xf32>
    %eq3A_62 = vector.broadcast %broadcast_in_dim3A_51 : vector<3072x1xf32> to vector<3072x128xf32>
    %eq3A_63 = arith.cmpf oeq, %slice3A_61, %eq3A_62 : vector<3072x128xf32>
    %add3A_64 = arith.constant 128 : i32
    %add3A_65 = vector.broadcast %add3A_64 : i32 to vector<3072x128xi32>
    %add3A_66 = arith.addi %iota3A, %add3A_65 : vector<3072x128xi32>
    %jit3A_67 = arith.constant 1024 : i32
    %broadcast_in_dim3A_68 = vector.broadcast %jit3A_67 : i32 to vector<3072x128xi32>
    %select_n3A_69 = arith.select %eq3A_63, %add3A_66, %broadcast_in_dim3A_68 : vector<3072x128xi1>, vector<3072x128xi32>
    %min3A_70 = arith.minsi %min3A_60, %select_n3A_69 : vector<3072x128xi32>
    %slice3A_71 = vector.extract_strided_slice %sqrt3A {offsets = [0, 256], sizes = [3072, 128], strides = [1, 1]} : vector<3072x1024xf32> to vector<3072x128xf32>
    %eq3A_72 = vector.broadcast %broadcast_in_dim3A_51 : vector<3072x1xf32> to vector<3072x128xf32>
    %eq3A_73 = arith.cmpf oeq, %slice3A_71, %eq3A_72 : vector<3072x128xf32>
    %add3A_74 = arith.constant 256 : i32
    %add3A_75 = vector.broadcast %add3A_74 : i32 to vector<3072x128xi32>
    %add3A_76 = arith.addi %iota3A, %add3A_75 : vector<3072x128xi32>
    %jit3A_77 = arith.constant 1024 : i32
    %broadcast_in_dim3A_78 = vector.broadcast %jit3A_77 : i32 to vector<3072x128xi32>
    %select_n3A_79 = arith.select %eq3A_73, %add3A_76, %broadcast_in_dim3A_78 : vector<3072x128xi1>, vector<3072x128xi32>
    %min3A_80 = arith.minsi %min3A_70, %select_n3A_79 : vector<3072x128xi32>
    %slice3A_81 = vector.extract_strided_slice %sqrt3A {offsets = [0, 384], sizes = [3072, 128], strides = [1, 1]} : vector<3072x1024xf32> to vector<3072x128xf32>
    %eq3A_82 = vector.broadcast %broadcast_in_dim3A_51 : vector<3072x1xf32> to vector<3072x128xf32>
    %eq3A_83 = arith.cmpf oeq, %slice3A_81, %eq3A_82 : vector<3072x128xf32>
    %add3A_84 = arith.constant 384 : i32
    %add3A_85 = vector.broadcast %add3A_84 : i32 to vector<3072x128xi32>
    %add3A_86 = arith.addi %iota3A, %add3A_85 : vector<3072x128xi32>
    %jit3A_87 = arith.constant 1024 : i32
    %broadcast_in_dim3A_88 = vector.broadcast %jit3A_87 : i32 to vector<3072x128xi32>
    %select_n3A_89 = arith.select %eq3A_83, %add3A_86, %broadcast_in_dim3A_88 : vector<3072x128xi1>, vector<3072x128xi32>
    %min3A_90 = arith.minsi %min3A_80, %select_n3A_89 : vector<3072x128xi32>
    %slice3A_91 = vector.extract_strided_slice %sqrt3A {offsets = [0, 512], sizes = [3072, 128], strides = [1, 1]} : vector<3072x1024xf32> to vector<3072x128xf32>
    %eq3A_92 = vector.broadcast %broadcast_in_dim3A_51 : vector<3072x1xf32> to vector<3072x128xf32>
    %eq3A_93 = arith.cmpf oeq, %slice3A_91, %eq3A_92 : vector<3072x128xf32>
    %add3A_94 = arith.constant 512 : i32
    %add3A_95 = vector.broadcast %add3A_94 : i32 to vector<3072x128xi32>
    %add3A_96 = arith.addi %iota3A, %add3A_95 : vector<3072x128xi32>
    %jit3A_97 = arith.constant 1024 : i32
    %broadcast_in_dim3A_98 = vector.broadcast %jit3A_97 : i32 to vector<3072x128xi32>
    %select_n3A_99 = arith.select %eq3A_93, %add3A_96, %broadcast_in_dim3A_98 : vector<3072x128xi1>, vector<3072x128xi32>
    %min3A_100 = arith.minsi %min3A_90, %select_n3A_99 : vector<3072x128xi32>
    %slice3A_101 = vector.extract_strided_slice %sqrt3A {offsets = [0, 640], sizes = [3072, 128], strides = [1, 1]} : vector<3072x1024xf32> to vector<3072x128xf32>
    %eq3A_102 = vector.broadcast %broadcast_in_dim3A_51 : vector<3072x1xf32> to vector<3072x128xf32>
    %eq3A_103 = arith.cmpf oeq, %slice3A_101, %eq3A_102 : vector<3072x128xf32>
    %add3A_104 = arith.constant 640 : i32
    %add3A_105 = vector.broadcast %add3A_104 : i32 to vector<3072x128xi32>
    %add3A_106 = arith.addi %iota3A, %add3A_105 : vector<3072x128xi32>
    %jit3A_107 = arith.constant 1024 : i32
    %broadcast_in_dim3A_108 = vector.broadcast %jit3A_107 : i32 to vector<3072x128xi32>
    %select_n3A_109 = arith.select %eq3A_103, %add3A_106, %broadcast_in_dim3A_108 : vector<3072x128xi1>, vector<3072x128xi32>
    %min3A_110 = arith.minsi %min3A_100, %select_n3A_109 : vector<3072x128xi32>
    %slice3A_111 = vector.extract_strided_slice %sqrt3A {offsets = [0, 768], sizes = [3072, 128], strides = [1, 1]} : vector<3072x1024xf32> to vector<3072x128xf32>
    %eq3A_112 = vector.broadcast %broadcast_in_dim3A_51 : vector<3072x1xf32> to vector<3072x128xf32>
    %eq3A_113 = arith.cmpf oeq, %slice3A_111, %eq3A_112 : vector<3072x128xf32>
    %add3A_114 = arith.constant 768 : i32
    %add3A_115 = vector.broadcast %add3A_114 : i32 to vector<3072x128xi32>
    %add3A_116 = arith.addi %iota3A, %add3A_115 : vector<3072x128xi32>
    %jit3A_117 = arith.constant 1024 : i32
    %broadcast_in_dim3A_118 = vector.broadcast %jit3A_117 : i32 to vector<3072x128xi32>
    %select_n3A_119 = arith.select %eq3A_113, %add3A_116, %broadcast_in_dim3A_118 : vector<3072x128xi1>, vector<3072x128xi32>
    %min3A_120 = arith.minsi %min3A_110, %select_n3A_119 : vector<3072x128xi32>
    %slice3A_121 = vector.extract_strided_slice %sqrt3A {offsets = [0, 896], sizes = [3072, 128], strides = [1, 1]} : vector<3072x1024xf32> to vector<3072x128xf32>
    %eq3A_122 = vector.broadcast %broadcast_in_dim3A_51 : vector<3072x1xf32> to vector<3072x128xf32>
    %eq3A_123 = arith.cmpf oeq, %slice3A_121, %eq3A_122 : vector<3072x128xf32>
    %add3A_124 = arith.constant 896 : i32
    %add3A_125 = vector.broadcast %add3A_124 : i32 to vector<3072x128xi32>
    %add3A_126 = arith.addi %iota3A, %add3A_125 : vector<3072x128xi32>
    %jit3A_127 = arith.constant 1024 : i32
    %broadcast_in_dim3A_128 = vector.broadcast %jit3A_127 : i32 to vector<3072x128xi32>
    %select_n3A_129 = arith.select %eq3A_123, %add3A_126, %broadcast_in_dim3A_128 : vector<3072x128xi1>, vector<3072x128xi32>
    %min3A_130 = arith.minsi %min3A_120, %select_n3A_129 : vector<3072x128xi32>
    %reduce_min3A_131 = arith.constant dense<2147483647> : vector<3072xi32>
    %reduce_min3A_132 = vector.multi_reduction <minsi>, %min3A_130, %reduce_min3A_131 [1] : vector<3072x128xi32> to vector<3072xi32>
    %swap3A = arith.constant 0 : index
    %swap3A_133 = vector.load %arg3[%swap3A] : memref<3072xi32, #tpu.memory_space<vmem>>, vector<3072xi32>
    tpu.vector_store %arg3[%swap3A], %reduce_min3A_132 {strides = array<i32>} : memref<3072xi32, #tpu.memory_space<vmem>>, vector<3072xi32>,
    %mul3A_134 = arith.mulf %broadcast_in_dim3A_51, %broadcast_in_dim3A_51 : vector<3072x1xf32>
    %reduce_sum3A_135 = vector.shape_cast %mul3A_134 : vector<3072x1xf32> to vector<1x3072x1xf32>
    %reduce_sum3A_136 = arith.constant dense<0.000000e+00> : vector<1xf32>
    %reduce_sum3A_137 = vector.multi_reduction <add>, %reduce_sum3A_135, %reduce_sum3A_136 [1, 2] : vector<1x3072x1xf32> to vector<1xf32>
    %reduce_sum3A_138 = vector.shape_cast %reduce_sum3A_137 : vector<1xf32> to vector<1x1x1xf32>
    %reduce_sum3A_139 = vector.extract %reduce_sum3A_138[0, 0, 0] : f32 from vector<1x1x1xf32>
    %eq3A_140 = arith.constant 0 : i32
    %eq3A_141 = arith.cmpi eq, %arg0, %eq3A_140 : i32
    %convert_element_type3A = arith.extui %eq3A_141 : i1 to i32
    %cond3A = arith.constant 0 : i32
    %cond3A_142 = arith.cmpi ne, %convert_element_type3A, %cond3A : i32
    scf.if %cond3A_142 {
      %swap3A_155 = arith.constant 0.000000e+00 : f32
      %swap3A_156 = arith.constant 0 : index
      %swap3A_157 = arith.constant 0 : index
      %swap3A_158 = memref.load %arg4[%swap3A_156, %swap3A_157] : memref<1x1xf32, #tpu.memory_space<smem>>
      memref.store %swap3A_155, %arg4[%swap3A_156, %swap3A_157] : memref<1x1xf32, #tpu.memory_space<smem>>
    } else {
    }
    %get3A_143 = arith.constant 0 : index
    %get3A_144 = arith.constant 0 : index
    %get3A_145 = memref.load %arg4[%get3A_143, %get3A_144] : memref<1x1xf32, #tpu.memory_space<smem>>
    %add3A_146 = arith.addf %get3A_145, %reduce_sum3A_139 : f32
    %swap3A_147 = arith.constant 0 : index
    %swap3A_148 = arith.constant 0 : index
    %swap3A_149 = memref.load %arg4[%swap3A_147, %swap3A_148] : memref<1x1xf32, #tpu.memory_space<smem>>
    memref.store %add3A_146, %arg4[%swap3A_147, %swap3A_148] : memref<1x1xf32, #tpu.memory_space<smem>>
    %eq3A_150 = arith.constant 2 : i32
    %eq3A_151 = arith.cmpi eq, %arg0, %eq3A_150 : i32
    %convert_element_type3A_152 = arith.extui %eq3A_151 : i1 to i32
    %cond3A_153 = arith.constant 0 : i32
    %cond3A_154 = arith.cmpi ne, %convert_element_type3A_152, %cond3A_153 : i32
    scf.if %cond3A_154 {
      %get3A_155 = arith.constant 0 : index
      %get3A_156 = arith.constant 0 : index
      %get3A_157 = memref.load %arg4[%get3A_155, %get3A_156] : memref<1x1xf32, #tpu.memory_space<smem>>
      %div3A = arith.constant 5.898240e+05 : f32
      %div3A_158 = arith.divf %get3A_157, %div3A : f32
      %mul3A_159 = arith.constant 2.500000e-01 : f32
      %mul3A_160 = arith.mulf %mul3A_159, %div3A_158 : f32
      %add3A_161 = arith.addf %div3A_158, %mul3A_160 : f32
      %swap3A_162 = arith.constant 0 : index
      %swap3A_163 = arith.constant 0 : index
      %swap3A_164 = memref.load %arg4[%swap3A_162, %swap3A_163] : memref<1x1xf32, #tpu.memory_space<smem>>
      memref.store %add3A_161, %arg4[%swap3A_162, %swap3A_163] : memref<1x1xf32, #tpu.memory_space<smem>>
    } else {
    }
    return
  }
  func.func @transform_0(%arg0: i32) -> (i32, i32) {
    %c0_i32 = arith.constant 0 : i32
    %c0_i32_0 = arith.constant 0 : i32
    return %arg0, %c0_i32 : i32, i32
  }
  func.func @transform_1(%arg0: i32) -> (i32, i32) {
    %c0_i32 = arith.constant 0 : i32
    %c0_i32_0 = arith.constant 0 : i32
    %c0_i32_1 = arith.constant 0 : i32
    return %c0_i32, %c0_i32_0 : i32, i32
  }
  func.func @transform_2(%arg0: i32) -> i32 {
    %c0_i32 = arith.constant 0 : i32
    return %arg0 : i32
  }
  func.func @transform_3(%arg0: i32) -> (i32, i32) {
    %c0_i32 = arith.constant 0 : i32
    %c0_i32_0 = arith.constant 0 : i32
    %c0_i32_1 = arith.constant 0 : i32
    return %c0_i32, %c0_i32_0 : i32, i32
  }
}

</mosaic_0001>

<sc_bundles>
// kernel: kernel.4.cloned.1.call-start
scs
__scs_entry_jumppad:
0x0: {  	(pc) =	sbr.rel $0x88, $3  }
0x1: {  	(tag) =	ssettag $0x0;
	lr =	simm.s32 $0x1  }
0x2: {  	[smem:$0x3F9F] =	sst lr;
	_ =	strace $0xD0000000  }
0x3: {  	_ = 	snop  }
0x4: {  	_ = 	snop  }
0x5: {  	_ = 	snop  }
0x6: {  	_ = 	snop  }
0x7: {  	_ = 	snop  }
__scs_overlays_trampoline_lowered:
0x8: {  	[smem:$0x3FAE] =	sst s0  }
0x9: {  	[smem:$0x3FAF] =	sst s1  }
0xa: {  	[smem:$0x3FB0] =	sst s2  }
0xb: {  	[smem:$0x3FB1] =	sst s3  }
0xc: {  	[smem:$0x3FB2] =	sst s4  }
0xd: {  	[smem:$0x3FB3] =	sst s5  }
0xe: {  	[smem:$0x3FB4] =	sst s6  }
0xf: {  	[smem:$0x3FB5] =	sst s7  }
0x10: {  	[smem:$0x3FB6] =	sst s8  }
0x11: {  	[smem:$0x3FB7] =	sst s9;
	s0 =	simm.s32 @!p0 $0x0  }
0x12: {  	s1 =	sld [smem:$0x3F9D];
	s0 =	simm.s32 @p0 $0x1  }
0x13: {  	[smem:$0x3FB8] =	sst s0;
	s0 =	simm.s32 @!p1 $0x0  }
0x14: {  	s2 =	sld [smem:$0x3F9C];
	s0 =	simm.s32 @p1 $0x1  }
0x15: {  	[smem:$0x3FB9] =	sst s0;
	s0 =	simm.s32 @!p2 $0x0  }
0x16: {  	s3 =	sld [smem:$0x3FDB];
	s0 =	simm.s32 @p2 $0x1  }
0x17: {  	s4 =	simm.s32 $0x1BF5;
	[smem:$0x3FBB] =	sst s0  }
0x18: {  	s0 =	sld [smem:$0x3F9E];
	_ =	swait.ge [sflag:s4], $0x0  }
0x19: {  	s7 =	sld [smem:$0x3F9F]  }
0x1a: {  	s8 =	sadd.s32 $0xFFFFE003, lr  }
0x1b: {  	s9 =	sadd.s32 $0xFFFFFEF7, lr;
	s5 =	simm.s32 $0xFFFFFFFF;
	p2 =	slt.u32 s8, $0xFFFFF086  }
0x1c: {  	p1 =	slt.u32 s9, $0xF7A;
	s5 =	simm.s32 @!p2 $0x0  }
0x1d: {  	s5 =	simm.s32 @p1 $0x1;
	p0 =	seq.s32 s7, s2  }
0x1e: {  	s7 =	smul.u32 @!p0 $0xF7A, s2;
	p2 =	seq.s32 @!p0 s5, $0x0  }
0x1f: {  	s9 =	smul.u32 $0xF7A, s1;
	s8 =	simm.s32 @!p0 $0x1BF5;
	p2 =	por !p2, p0  }
0x20: {  	[sflag:s8] =	ssyncset.s32 @!p0 $0xFFFFF086;
	s6 =	sadd.s32 @!p0 s3, s7;
	s7 =	simm.s32 @!p0 $0x108  }
0x21: {  	s3 =	sadd.s32 s3, s9;
	s6 =	sadd.s32 @!p0 $0x88, s6;
	s7 =	simm.s32 @p2 $0x1082  }
0x22: {  	[simem:s7], [sflag:s8] =	dma.local @!p0 [hbm:s6], $0xF7A  }
0x23: {  	s9 =	sor.u32 $0xD0000000, s2;
	s6 =	simm.s32 $0x108;
	_ =	swait.ge @!p0 [sflag:s8], $0x0  }
0x24: {  	s3 =	sadd.s32 $0x88, s3;
	s6 =	simm.s32 @!p1 $0x1082;
	[sflag:s4] =	ssyncset.s32 $0xFFFFF086  }
0x25: {  	[simem:s6], [sflag:s4] =	dma.local [hbm:s3], $0xF7A  }
0x26: {  	[smem:$0x3F9F] =	sst s1;
	(tag) =	ssettag s2;
	_ =	strace s9  }
0x27: {  	s1 =	sld [smem:$0x3FAF]  }
0x28: {  	s2 =	sld [smem:$0x3FB0]  }
0x29: {  	s4 =	sld [smem:$0x3FB2]  }
0x2a: {  	p0 =	seq.s32 s5, $0x0;
	s5 =	sld [smem:$0x3FB3]  }
0x2b: {  	s6 =	sld [smem:$0x3FB4]  }
0x2c: {  	s7 =	sld [smem:$0x3FB5]  }
0x2d: {  	s3 =	simm.s32 $0x108;
	s8 =	sld [smem:$0x3FB6]  }
0x2e: {  	s3 =	simm.s32 @!p0 $0x1082;
	s9 =	sld [smem:$0x3FB7]  }
0x2f: {  	lr =	sadd.s32 s0, s3;
	s0 =	sld [smem:$0x3FAE]  }
0x30: {  	s3 =	sld [smem:$0x3FB1]  }
0x31: {  	[smem:$0x3FBA] =	sst s10  }
0x32: {  	s10 =	sld [smem:$0x3FB8];
	_ =	sdelay $0x3  }
0x33: {  	p0 =	seq.s32 s10, $0x1;
	s10 =	sld [smem:$0x3FBA];
	_ =	sdelay $0x3  }
0x34: {  	[smem:$0x3FBA] =	sst s10  }
0x35: {  	s10 =	sld [smem:$0x3FB9];
	_ =	sdelay $0x3  }
0x36: {  	p1 =	seq.s32 s10, $0x1;
	s10 =	sld [smem:$0x3FBA];
	_ =	sdelay $0x3  }
0x37: {  	[smem:$0x3FBA] =	sst s10  }
0x38: {  	s10 =	sld [smem:$0x3FBB]  }
0x39: {  	_ = 	snop;
	(pc) =	sbr.ind lr, $3  }
0x3a: {  	_ = 	snop  }
0x3b: {  	_ = 	snop  }
0x3c: {  	p2 =	seq.s32 s10, $0x1;
	s10 =	sld [smem:$0x3FBA]  }
0x3d: {  	_ =	shalt  }
0x3e: {  	_ =	shalt  }
0x3f: {  	_ =	shalt  }
0x40: {  	_ =	shalt  }
0x41: {  	_ =	shalt  }
0x42: {  	_ =	shalt  }
0x43: {  	_ =	shalt  }
0x44: {  	_ =	shalt  }
0x45: {  	_ =	shalt  }
0x46: {  	_ =	shalt  }
0x47: {  	_ =	shalt  }
0x48: {  	_ =	shalt  }
0x49: {  	_ =	shalt  }
0x4a: {  	_ =	shalt  }
0x4b: {  	_ =	shalt  }
0x4c: {  	_ =	shalt  }
0x4d: {  	_ =	shalt  }
0x4e: {  	_ =	shalt  }
0x4f: {  	_ =	shalt  }
0x50: {  	_ =	shalt  }
0x51: {  	_ =	shalt  }
0x52: {  	_ =	shalt  }
0x53: {  	_ =	shalt  }
0x54: {  	_ =	shalt  }
0x55: {  	_ =	shalt  }
0x56: {  	_ =	shalt  }
0x57: {  	_ =	shalt  }
0x58: {  	_ =	shalt  }
0x59: {  	_ =	shalt  }
0x5a: {  	_ =	shalt  }
0x5b: {  	_ =	shalt  }
0x5c: {  	_ =	shalt  }
0x5d: {  	_ =	shalt  }
0x5e: {  	_ =	shalt  }
0x5f: {  	_ =	shalt  }
0x60: {  	_ =	shalt  }
0x61: {  	_ =	shalt  }
0x62: {  	_ =	shalt  }
0x63: {  	_ =	shalt  }
0x64: {  	_ =	shalt  }
0x65: {  	_ =	shalt  }
0x66: {  	_ =	shalt  }
0x67: {  	_ =	shalt  }
0x68: {  	_ =	shalt  }
0x69: {  	_ =	shalt  }
0x6a: {  	_ =	shalt  }
0x6b: {  	_ =	shalt  }
0x6c: {  	_ =	shalt  }
0x6d: {  	_ =	shalt  }
0x6e: {  	_ =	shalt  }
0x6f: {  	_ =	shalt  }
0x70: {  	_ =	shalt  }
0x71: {  	_ =	shalt  }
0x72: {  	_ =	shalt  }
0x73: {  	_ =	shalt  }
0x74: {  	_ =	shalt  }
0x75: {  	_ =	shalt  }
0x76: {  	_ =	shalt  }
0x77: {  	_ =	shalt  }
0x78: {  	_ =	shalt  }
0x79: {  	_ =	shalt  }
0x7a: {  	_ =	shalt  }
0x7b: {  	_ =	shalt  }
0x7c: {  	_ =	shalt  }
0x7d: {  	_ =	shalt  }
0x7e: {  	_ =	shalt  }
0x7f: {  	_ =	shalt  }
0x80: {  	_ =	shalt  }
0x81: {  	_ =	shalt  }
0x82: {  	_ =	shalt  }
0x83: {  	_ =	shalt  }
0x84: {  	_ =	shalt  }
0x85: {  	_ =	shalt  }
0x86: {  	_ =	shalt  }
0x87: {  	_ =	shalt  }
.Lfunc_end0:
.L_simem_size_0:
called_computation_lowered:
.L_overlay_start_0:
0x88: {  	s2 =	sld [smem:$0x3FD9]  }
0x89: {  	s3 =	sld [smem:$0x3FFE];
	_ =	sdelay $0x1  }
0x8a: {  	s1 =	srdreg.scid  }
0x8b: {  	s0 =	sand.u32 $0x1, s1  }
0x8c: {  	s14 =	sshll.u32 s0, $0xA;
	s2 =	sadd.s32 s3, s2  }
0x8d: {  	s2 =	sadd.s32 s2, s14  }
0x8e: {  	[smem:$0x3FC6] =	sst s2  }
0x8f: {  	_ = 	snop  }
0x90: {  	s2 =	sld [smem:$0x3FD0];
	_ =	sdelay $0x2  }
0x91: {  	s15 =	simm.s32 $0xA;
	s4 =	simm.s32 $0x10  }
0x92: {  	[smem:s4], [sflag:s15] =	dma.local [hbm:s2], $0x1  }
0x93: {  	_ =	swait.eq [sflag:s15], $0x1  }
0x94: {  	[sflag:s15] =	ssyncset.done $0x0  }
0x95: {  	[sflag:s15] =	ssyncadd.s32 $0xFFFFFFFF  }
0x96: {  	s16 =	sld [smem:$0x10];
	(tm) =	ssettm $0x1  }
0x97: {  	s17 =	sld [smem:$0x3FFB];
	_ =	sdelay $0x3  }
0x98: {  	_ =	strace s17  }
0x99: {  	s3 =	sld [smem:$0x3FFC];
	_ =	sdelay $0x3  }
0x9a: {  	_ =	strace s3  }
0x9b: {  	s3 =	sld [smem:$0x3FFD];
	_ =	sdelay $0x3  }
0x9c: {  	_ =	strace s3  }
0x9d: {  	_ =	strace $0x8FFFFFFF  }
0x9e: {  	s18 =	sld [smem:$0x3FDB];
	_ =	sdelay $0x1  }
0x9f: {  	s19 =	simm.s32 $_scs_section_size  }
0xa0: {  	s5 =	simm.s32 $_size__tile_overlayer_lowered;
	s6 =	simm.s32 $_tile_overlayer_lowered  }
0xa1: {  	s22 =	simm.s32 $0x1BFF;
	s21 =	sshll.u32 s6, $0x1;
	s3 =	sadd.s32 s19, s18  }
0xa2: {  	s7 =	simm.s32 $0x0;
	s20 =	sshll.u32 s5, $0x1;
	s5 =	sadd.s32 s21, s3  }
0xa3: {  	[timem:s7], [sflag:s22] =	dma.local [hbm:s5], s20  }
0xa4: {  	_ =	swait.ge [sflag:s22], s20  }
0xa5: {  	s4 =	ssub.s32 $0x0, s20;
	[sflag:s22] =	ssyncset.done $0x0  }
0xa6: {  	[sflag:s22] =	ssyncadd.s32 s4;
	_ =	sdelay $0x1  }
0xa7: {  	s23 =	simm.s32 $0x1B8B  }
0xa8: {  	_ =	swait.ge [sflag:s23], $0x1  }
0xa9: {  	[sflag:s23] =	ssyncset.done $0x0  }
0xaa: {  	s25 =	simm.s32 $0x1B8E;
	s24 =	sld [smem:$0x3FFE];
	[sflag:s23] =	ssyncadd.s32 $0xFFFFFFFF  }
0xab: {  	s26 =	simm.s32 $execute0_lowered;
	[smem:$0x3FD2] =	sst s25  }
0xac: {  	s5 =	sshll.u32 s26, $0x1;
	_ =	strace $0x80000046;
	[dreg:$0x1] =	wrdreg $0xFFFFFFFF  }
0xad: {  	s28 =	simm.s32 $_size_execute0_lowered;
	s3 =	sadd.s32 s3, s5;
	[dreg:$0x0] =	wrdreg $0x0  }
0xae: {  	s5 =	sshll.u32 s28, $0x1;
	[dreg:$0x2] =	wrdreg s3  }
0xaf: {  	[dreg:$0x3] =	wrdreg s5  }
0xb0: {  	[dreg:$0x4] =	wrdreg $0xC0  }
0xb1: {  	_ =	task [dreg:s7], $0x5FFFF  }
0xb2: {  	[dreg:$0x1] =	wrdreg $0xFFFFFFFF  }
0xb3: {  	[dreg:$0x0] =	wrdreg $0x60  }
0xb4: {  	[dreg:$0x2] =	wrdreg s16  }
0xb5: {  	[dreg:$0x3] =	wrdreg s24  }
0xb6: {  	[dreg:$0x4] =	wrdreg $0x9  }
0xb7: {  	_ =	task.clear_ibuf [dreg:s7], $0x5FFFF;
	_ =	strace $0x90000046  }
0xb8: {  	s29 =	simm.s32 $0x9;
	_ =	strace $0x80000048  }
0xb9: {  	_ =	swait.ge [sflag:s29], $0x1  }
0xba: {  	[sflag:s29] =	ssyncadd.s32 $0xFFFFFFFF  }
0xbb: {  	_ =	strace $0x90000048  }
0xbc: {  	_ =	sfence  }
0xbd: {  	s30 =	sld [smem:$0x0];
	_ =	sdelay $0x2  }
0xbe: {  	s31 =	sshll.u32 s1, $0xD;
	s1 =	sshrl.u32 s1, $0x2  }
0xbf: {  	s3 =	sand.u32 $0x4000, s31;
	s1 =	sadd.s32 s1, s30  }
0xc0: {  	s0 =	sor.u32 s3, s0;
	s1 =	sshll.u32 s1, $0x11  }
0xc1: {  	s0 =	sor.u32 s1, s0  }
0xc2: {  	s0 =	sadd.s32 $0x8F2B, s0  }
0xc3: {  	[sflag:s0] =	ssyncadd.remote.s32 $0x1  }
0xc4: {  	_ =	sfence.sel $0xFFFF  }
0xc5: {  	[dreg:$0x0] =	wrdreg $0xFFFFFFFF;
	(pc) =	sbr.abs _section_cstart, $3  }
0xc6: {  	[dreg:$0x1] =	wrdreg $0xFFFFFFFF  }
0xc7: {  	_ =	task.clear_ibuf [dreg:s7], $0x2FFFF;
	_ =	strace $0x9FFFFFFF  }
0xc8: {  	(tm) =	ssettm $0x7FFFFFFF  }
0xc9: {  	_ =	shalt  }
tec
execute0_lowered:
.L_overlay_start_1:
0x0: {  	(tag) =	ssettag $0x1  }
0x1: {  	s1 =	srdreg.scid;
	s0 =	stileid.u32  }
0x2: {  	s21 =	sand.u32 $0x1, s1;
	s31 =	sshll.u32 s0, $0x1  }
0x3: {  	s15 =	sor.u32 s21, s31  }
0x4: {  	s2 =	rddreg [dreg:$0x0];
	s8 =	smul.u32 $0x120, s15  }
0x5: {  	s16 =	rddreg [dreg:$0x1];
	s3 =	simm.s32 $0x0;
	s5 =	simm.s32 $0x5  }
0x6: {  	[smem:$0x7FF] =	sst s3;
	s9 =	sadd.s32 $0xA00, s16;
	s4 =	sshrl.u32 s8, $0x3  }
0x7: {  	s1 =	rddreg [dreg:$0x2];
	_ =	strace $0x80000047;
	s4 =	sadd.s32 s9, s4  }
0x8: {  	[tilespmem:s3], [sflag:$0x5] =	stream.linear.gather [hbm4b:s4+s3], $0x60, $0x38;
	[tilespmem:$0x9180] =	vst v63  }
0x9: {  	s17 =	sadd.s32 $0x60, s8;
	_ =	swait.ge [sflag:s5], $0x60  }
0xa: {  	s6 =	sshrl.u32 s17, $0x3;
	[sflag:s5] =	ssyncset.done $0x0  }
0xb: {  	s7 =	simm.s32 $0x80;
	s6 =	sadd.s32 s9, s6;
	[sflag:s5] =	ssyncadd.s32 $0xFFFFFFA0  }
0xc: {  	[tilespmem:s7], [sflag:$0x5] =	stream.linear.gather [hbm4b:s6+s3], $0x60, $0x38;
	[tilespmem:$0x9180] =	vst v63  }
0xd: {  	s19 =	sadd.s32 $0xC0, s8;
	_ =	swait.ge [sflag:s5], $0x60  }
0xe: {  	s8 =	sshrl.u32 s19, $0x3;
	[sflag:s5] =	ssyncset.done $0x0  }
0xf: {  	s8 =	sadd.s32 s9, s8;
	s9 =	simm.s32 $0x100;
	[sflag:s5] =	ssyncadd.s32 $0xFFFFFFA0  }
0x10: {  	[tilespmem:s9], [sflag:$0x5] =	stream.linear.gather [hbm4b:s8+s3], $0x60, $0x38;
	[tilespmem:$0x9180] =	vst v63  }
0x11: {  	_ =	swait.ge [sflag:s5], $0x60  }
0x12: {  	[sflag:s5] =	ssyncset.done $0x0  }
0x13: {  	s10 =	simm.s32 $0x60;
	s11 =	simm.s32 $0x180;
	[sflag:s5] =	ssyncadd.s32 $0xFFFFFFA0  }
0x14: {  	[tilespmem:s11], [sflag:$0x1] =	stream.indirect.gather [hbm4b:s2+s10], $0x80, s3, s10, $0xb8;
	[tilespmem:$0x9180] =	vst v63  }
0x15: {  	s12 =	simm.s32 $0x3180  }
0x16: {  	[tilespmem:s12], [sflag:$0x2] =	stream.indirect.gather [hbm4b:s2+s10], $0x80, s7, s10, $0xb8;
	[tilespmem:$0x9180] =	vst v63  }
0x17: {  	s13 =	simm.s32 $0x6180;
	s14 =	simm.s32 $0x1  }
0x18: {  	[tilespmem:s13], [sflag:$0x3] =	stream.indirect.gather [hbm4b:s2+s10], $0x80, s9, s10, $0xb8;
	[tilespmem:$0x9180] =	vst v63  }
0x19: {  	s15 =	smul.u32 $0x1200, s15;
	_ =	swait.ge [sflag:s14], $0x3000  }
0x1a: {  	s20 =	sadd.s32 $0x1000, s16;
	[sflag:s14] =	ssyncset.done $0x0  }
0x1b: {  	s16 =	simm.s32 $0x2;
	s15 =	sadd.s32 s20, s15;
	[sflag:s14] =	ssyncadd.s32 $0xFFFFD000  }
0x1c: {  	[hbm4b:s15+s3] =	stream.linear.scatter [tilespmem:s11], [sflag:$0x4], $0x3000, $0x38;
	[tilespmem:$0x9180] =	vst v63  }
0x1d: {  	_ =	swait.ge [sflag:s16], $0x3000  }
0x1e: {  	s17 =	sshll.u32 s17, $0x4;
	[sflag:s16] =	ssyncset.done $0x0  }
0x1f: {  	s18 =	simm.s32 $0x3;
	s17 =	sadd.s32 s20, s17;
	[sflag:s16] =	ssyncadd.s32 $0xFFFFD000  }
0x20: {  	[hbm4b:s17+s3] =	stream.linear.scatter [tilespmem:s12], [sflag:$0x4], $0x3000, $0x38;
	[tilespmem:$0x9180] =	vst v63  }
0x21: {  	s21 =	ssub.s32 $0x2, s21;
	_ =	swait.ge [sflag:s18], $0x3000  }
0x22: {  	s22 =	sshrl.u32 s21, $0x1;
	s19 =	sshll.u32 s19, $0x4;
	[sflag:s18] =	ssyncset.done $0x0  }
0x23: {  	s20 =	sadd.s32 s20, s19;
	s19 =	simm.s32 $0x4;
	[sflag:s18] =	ssyncadd.s32 $0xFFFFD000  }
0x24: {  	[hbm4b:s20+s3] =	stream.linear.scatter [tilespmem:s13], [sflag:$0x4], $0x3000, $0x38;
	[tilespmem:$0x9180] =	vst v63  }
0x25: {  	s21 =	ssub.s32 s21, s22;
	_ =	swait.ge [sflag:s19], $0x3000  }
0x26: {  	s21 =	smax.u32 s21, $0x1;
	[sflag:s19] =	ssyncset.done $0x0  }
0x27: {  	p0 =	sne.s32 s21, $0x1;
	[sflag:s19] =	ssyncadd.s32 $0xFFFFD000  }
.Ltmp0:
0x28: {  	_ =	swait.ge [sflag:s19], $0x3000;
	(pc) =	sbr.rel @!p0 .LBB2_2-.Ltmp0, $4  }
0x29: {  	[sflag:s19] =	ssyncset.done $0x0  }
0x2a: {  	[sflag:s19] =	ssyncadd.s32 $0xFFFFD000  }
0x2b: {  	_ =	swait.ge [sflag:s19], $0x3000  }
0x2c: {  	s21 =	sadd.s32 $0xFFFFFFFF, s21;
	[sflag:s19] =	ssyncset.done $0x0  }
.LBB2_1:
0x2d: {  	p0 =	sne.s32 s21, $0x1;
	s21 =	sadd.s32 $0xFFFFFFFF, s21;
	[sflag:s19] =	ssyncadd.s32 $0xFFFFD000  }
0x2e: {  	[tilespmem:s3], [sflag:$0x5] =	stream.linear.gather [hbm4b:s4+s3], $0x60, $0x38;
	[tilespmem:$0x9180] =	vst v63  }
0x2f: {  	_ =	swait.ge [sflag:s5], $0x60  }
0x30: {  	[sflag:s5] =	ssyncset.done $0x0  }
0x31: {  	[sflag:s5] =	ssyncadd.s32 $0xFFFFFFA0  }
0x32: {  	[tilespmem:s7], [sflag:$0x5] =	stream.linear.gather [hbm4b:s6+s3], $0x60, $0x38;
	[tilespmem:$0x9180] =	vst v63  }
0x33: {  	_ =	swait.ge [sflag:s5], $0x60  }
0x34: {  	[sflag:s5] =	ssyncset.done $0x0  }
0x35: {  	[sflag:s5] =	ssyncadd.s32 $0xFFFFFFA0  }
0x36: {  	[tilespmem:s9], [sflag:$0x5] =	stream.linear.gather [hbm4b:s8+s3], $0x60, $0x38;
	[tilespmem:$0x9180] =	vst v63  }
0x37: {  	_ =	swait.ge [sflag:s5], $0x60  }
0x38: {  	[sflag:s5] =	ssyncset.done $0x0  }
0x39: {  	[sflag:s5] =	ssyncadd.s32 $0xFFFFFFA0  }
0x3a: {  	[tilespmem:s11], [sflag:$0x1] =	stream.indirect.gather [hbm4b:s2+s10], $0x80, s3, s10, $0xb8;
	[tilespmem:$0x9180] =	vst v63  }
0x3b: {  	_ = 	snop  }
0x3c: {  	[tilespmem:s12], [sflag:$0x2] =	stream.indirect.gather [hbm4b:s2+s10], $0x80, s7, s10, $0xb8;
	[tilespmem:$0x9180] =	vst v63  }
0x3d: {  	_ = 	snop  }
0x3e: {  	[tilespmem:s13], [sflag:$0x3] =	stream.indirect.gather [hbm4b:s2+s10], $0x80, s9, s10, $0xb8;
	[tilespmem:$0x9180] =	vst v63  }
0x3f: {  	_ =	swait.ge [sflag:s14], $0x3000  }
0x40: {  	[sflag:s14] =	ssyncset.done $0x0  }
0x41: {  	[sflag:s14] =	ssyncadd.s32 $0xFFFFD000  }
0x42: {  	[hbm4b:s15+s3] =	stream.linear.scatter [tilespmem:s11], [sflag:$0x4], $0x3000, $0x38;
	[tilespmem:$0x9180] =	vst v63  }
0x43: {  	_ =	swait.ge [sflag:s16], $0x3000  }
0x44: {  	[sflag:s16] =	ssyncset.done $0x0  }
0x45: {  	[sflag:s16] =	ssyncadd.s32 $0xFFFFD000  }
0x46: {  	[hbm4b:s17+s3] =	stream.linear.scatter [tilespmem:s12], [sflag:$0x4], $0x3000, $0x38;
	[tilespmem:$0x9180] =	vst v63  }
0x47: {  	_ =	swait.ge [sflag:s18], $0x3000  }
0x48: {  	[sflag:s18] =	ssyncset.done $0x0  }
0x49: {  	[sflag:s18] =	ssyncadd.s32 $0xFFFFD000  }
0x4a: {  	[hbm4b:s20+s3] =	stream.linear.scatter [tilespmem:s13], [sflag:$0x4], $0x3000, $0x38;
	[tilespmem:$0x9180] =	vst v63  }
0x4b: {  	_ =	swait.ge [sflag:s19], $0x3000  }
0x4c: {  	[sflag:s19] =	ssyncset.done $0x0  }
0x4d: {  	[sflag:s19] =	ssyncadd.s32 $0xFFFFD000  }
.Ltmp1:
0x4e: {  	_ =	swait.ge [sflag:s19], $0x3000;
	(pc) =	sbr.rel @p0 .LBB2_1-.Ltmp1, $4  }
0x4f: {  	[sflag:s19] =	ssyncset.done $0x0  }
0x50: {  	[sflag:s19] =	ssyncadd.s32 $0xFFFFD000  }
0x51: {  	_ =	swait.ge [sflag:s19], $0x3000  }
0x52: {  	[sflag:s19] =	ssyncset.done $0x0  }
.LBB2_2:
0x53: {  	[sflag:s19] =	ssyncadd.s32 $0xFFFFD000  }
0x54: {  	_ =	sfence.sel $0x180000  }
0x55: {  	[bflag:$0x0] =	sbarrier.arrive $0xFFFF  }
0x56: {  	p0 =	sne.s32 s0, $0x0;
	_ =	strace $0x90000047  }
0x57: {  	s0 =	sadd.s32 @!p0 $0x100000, s1;
	[bflag:$0x2] =	sbarrier.arrive $0xFFFF  }
0x58: {  	[sflag:s0] =	ssyncadd.tile.s32 @!p0 $0x1;
	_ =	shalt  }
.Lfunc_end2:
_tile_overlayer_lowered:
.L_overlay_start_2:
0x59: {  	(tag) =	ssettag $0x2  }
0x5a: {  	s0 =	rddreg [dreg:$0x0];
	s2 =	stileid.u32  }
0x5b: {  	s1 =	rddreg [dreg:$0x1];
	p0 =	sne.s32 s2, $0x0  }
0x5c: {  	s3 =	rddreg [dreg:$0x2];
	[bflag:$0x3] =	sbarrier.arrive $0xFFFF;
	s2 =	simm.s32 @!p0 $0x1C05  }
0x5d: {  	[timem:s3], [sflag:s2] =	dma.local @!p0 [hbm:s0], s1  }
0x5e: {  	s0 =	simm.s32 @!p0 $0x5  }
0x5f: {  	_ =	swait.ge @!p0 [sflag:s0], s1  }
0x60: {  	s1 =	ssub.s32 @!p0 $0x0, s1;
	[sflag:s0] =	ssyncset.done @!p0 $0x0  }
0x61: {  	[sflag:s0] =	ssyncadd.s32 @!p0 s1  }
0x62: {  	[bflag:$0x3] =	sbarrier.arrive $0xFFFF  }
0x63: {  	_ =	shalt  }

</sc_bundles>
